<compile_context>
chip_gen: v7x
topology: tpu7x:2x2x1
jax: 0.10.2.dev20260603
libtpu: 0.0.44.dev20260713+nightly
codegen_flags: <defaults>
</compile_context>

<pallas_src>
import functools

import jax
import jax.numpy as jnp
from jax import lax
from jax.experimental import pallas as pl
from jax.experimental.pallas import tpu as pltpu
from jax.experimental.pallas import tpu_sc as plsc

_BATCH = 16384
_EMBED_DIM = 128
_HIDDEN = 256
_N_ACTIONS = 18

_NC = 2
_NS = 16
_NW = _NC * _NS
_LANES = 128
_ROWS_PER_W = _BATCH // _NW
_CHUNKS = _ROWS_PER_W // _LANES
_IDX_ROWS = _BATCH // _LANES


def _make_sc_gather_body(chunks):
    def _sc_gather_body(embed_hbm, idx_hbm, out_hbm, idx_v, buf_v,
                        gsem, wsem):
        wid = lax.axis_index("s") * _NC + lax.axis_index("c")
        base = wid * chunks
        pltpu.sync_copy(idx_hbm.at[pl.ds(base, chunks)], idx_v)
        for j in range(chunks):
            pltpu.async_copy(embed_hbm.at[idx_v.at[j]], buf_v.at[j], gsem)
        for j in range(chunks):
            pltpu.make_async_copy(embed_hbm.at[idx_v.at[j]], buf_v.at[j],
                                  gsem).wait()
            pltpu.async_copy(buf_v.at[j], out_hbm.at[base + j], wsem)
        for j in range(chunks):
            pltpu.make_async_copy(buf_v.at[j], out_hbm.at[base + j],
                                  wsem).wait()
    return _sc_gather_body


def _sc_gather(embed, idx2d):
    rows = idx2d.shape[0]
    chunks = rows // _NW
    mesh = plsc.VectorSubcoreMesh(core_axis_name="c", subcore_axis_name="s",
                                  num_cores=_NC, num_subcores=_NS)
    f = functools.partial(
        pl.kernel,
        out_type=jax.ShapeDtypeStruct((rows, _LANES, _EMBED_DIM),
                                      jnp.float32),
        mesh=mesh,
        scratch_types=[
            pltpu.VMEM((chunks, _LANES), jnp.int32),
            pltpu.VMEM((chunks, _LANES, _EMBED_DIM), jnp.float32),
            pltpu.SemaphoreType.DMA,
            pltpu.SemaphoreType.DMA,
        ],
    )(_make_sc_gather_body(chunks))
    return f(embed, idx2d)


def _mlp_body(x_ref, w1_ref, b1_ref, wc_ref, bc_ref, lp_ref, v_ref):
    x = x_ref[...]
    zt = lax.dot_general(w1_ref[...], x, (((1,), (1,)), ((), ())),
                         preferred_element_type=jnp.float32)
    zt = zt + b1_ref[...]
    ht = zt * (0.5 * jnp.tanh(0.5 * zt) + 0.5)
    cat = lax.dot_general(wc_ref[...], ht, (((1,), (0,)), ((), ())),
                          preferred_element_type=jnp.float32)
    cat = cat + bc_ref[...]
    logits = cat[:_N_ACTIONS, :]
    m = jnp.max(logits, axis=0, keepdims=True)
    e = jnp.exp(logits - m)
    s = jnp.sum(e, axis=0, keepdims=True)
    lp_ref[...] = (logits - m - jnp.log(s)).T
    v_ref[...] = cat[_N_ACTIONS:_N_ACTIONS + 1, :].T


def _mlp(x, W1, b1c, Wc, bcc, block_b=2048):
    rows = x.shape[0]
    grid = (rows // block_b,)
    return pl.pallas_call(
        _mlp_body,
        grid=grid,
        in_specs=[
            pl.BlockSpec((block_b, _EMBED_DIM), lambda i: (i, 0)),
            pl.BlockSpec((_HIDDEN, _EMBED_DIM), lambda i: (0, 0)),
            pl.BlockSpec((_HIDDEN, 1), lambda i: (0, 0)),
            pl.BlockSpec((_N_ACTIONS + 1, _HIDDEN), lambda i: (0, 0)),
            pl.BlockSpec((_N_ACTIONS + 1, 1), lambda i: (0, 0)),
        ],
        out_specs=[
            pl.BlockSpec((block_b, _N_ACTIONS), lambda i: (i, 0)),
            pl.BlockSpec((block_b, 1), lambda i: (i, 0)),
        ],
        out_shape=[
            jax.ShapeDtypeStruct((rows, _N_ACTIONS), jnp.float32),
            jax.ShapeDtypeStruct((rows, 1), jnp.float32),
        ],
    )(x, W1, b1c, Wc, bcc)


def kernel(inputs, embed, W1, b1, Wv, bv, Wp, bp):
    idx2d = inputs.astype(jnp.int32).reshape(_IDX_ROWS, _LANES)
    Wc = jnp.concatenate([Wp, Wv], axis=0)
    bcc = jnp.concatenate([bp, bv], axis=0).reshape(_N_ACTIONS + 1, 1)
    b1c = b1.reshape(_HIDDEN, 1)
    x = _sc_gather(embed, idx2d).reshape(_BATCH, _EMBED_DIM)
    log_probs, value = _mlp(x, W1, b1c, Wc, bcc, block_b=4096)
    return (log_probs, value)

# --- scband reference (transcript-rebuilt; emitter-appended) ---
"""Pipeline reference for scband-model-68436008894508 (READ-ONLY COPY).

The authoritative reference and input builder live on the scoring server;
editing this copy changes nothing except your own understanding.
"""

import jax, jax.numpy as jnp
import numpy as np

N_STATES = 1000000
N_ACTIONS = 18
BATCH = 16384
EMBED_DIM = 128
HIDDEN = 256


def setup_inputs(seed: int = 0) -> dict:
    key = jax.random.key(seed)
    k_idx, k_emb, k_w1, k_b1, k_wv, k_bv, k_wp, k_bp = jax.random.split(key, 8)
    inputs = jax.random.randint(k_idx, (BATCH,), 0, N_STATES, dtype=jnp.int64 if jax.config.jax_enable_x64 else jnp.int32)
    embed = jax.random.normal(k_emb, (N_STATES, EMBED_DIM), dtype=jnp.float32)
    # fc1: Linear(128, 256)
    W1 = jax.random.normal(k_w1, (HIDDEN, EMBED_DIM), dtype=jnp.float32) * (1.0 / np.sqrt(EMBED_DIM))
    b1 = jax.random.normal(k_b1, (HIDDEN,), dtype=jnp.float32) * 0.01
    # value: Linear(256, 1)
    Wv = jax.random.normal(k_wv, (1, HIDDEN), dtype=jnp.float32) * (1.0 / np.sqrt(HIDDEN))
    bv = jax.random.normal(k_bv, (1,), dtype=jnp.float32) * 0.01
    # policy: Linear(256, 18)
    Wp = jax.random.normal(k_wp, (N_ACTIONS, HIDDEN), dtype=jnp.float32) * (1.0 / np.sqrt(HIDDEN))
    bp = jax.random.normal(k_bp, (N_ACTIONS,), dtype=jnp.float32) * 0.01
    return {"inputs": inputs, "embed": embed, "W1": W1, "b1": b1, "Wv": Wv, "bv": bv, "Wp": Wp, "bp": bp}


def reference(inputs, embed, W1, b1, Wv, bv, Wp, bp):
    # nn.Embedding lookup
    x = jnp.take(embed, inputs, axis=0)
    # F.silu(self.fc1(x))
    h = jax.nn.silu(x @ W1.T + b1)
    # value head
    value = h @ Wv.T + bv
    # Categorical(logits=...) stores normalized log-probs: logits - logsumexp(logits)
    raw_logits = h @ Wp.T + bp
    log_probs = jax.nn.log_softmax(raw_logits, axis=-1)
    return (log_probs, value)

if __name__ == "__main__":
    import jax
    _d = setup_inputs()
    print(jax.jit(kernel)(*tuple(_d.values())))

</pallas_src>

<mosaic_0001>
#map = affine_map<(d0, d1) -> (0, 0)>
#map1 = affine_map<(d0, d1) -> (0, 0, 0)>
module attributes {stable_mosaic.version = 14 : i64} {
  func.func @_sc_gather_body(%arg0: i32, %arg1: i32, %arg2: memref<1000000x128xf32, #tpu.memory_space<hbm>>, %arg3: memref<128x128xi32, #tpu.memory_space<hbm>>, %arg4: memref<128x128x128xf32, #tpu.memory_space<hbm>>, %arg5: memref<4x128xi32, #tpu.memory_space<vmem>>, %arg6: memref<4x128x128xf32, #tpu.memory_space<vmem>>, %arg7: memref<!tpu.dma_semaphore, #tpu.memory_space<semaphore_mem>>, %arg8: memref<!tpu.dma_semaphore, #tpu.memory_space<semaphore_mem>>) attributes {dimension_semantics = [#tpu.dimension_semantics<core_parallel>, #tpu.dimension_semantics<subcore_parallel>], iteration_bounds = array<i64: 2, 16>, scalar_prefetch = 0 : i64, scratch_operands = 4 : i64, tpu.core_type = #tpu.core_type<sc_vector_subcore>, window_params = [{transform_indices = #map}, {transform_indices = #map}, {transform_indices = #map1}]} {
    %mul3A = arith.constant 2 : i32
    %mul3A_0 = arith.muli %arg1, %mul3A : i32
    %add3A = arith.addi %mul3A_0, %arg0 : i32
    %mul3A_1 = arith.constant 4 : i32
    %mul3A_2 = arith.muli %add3A, %mul3A_1 : i32
    "tpu.region"() ({
      %run_scoped3A = tpu.sem_alloc : memref<!tpu.dma_semaphore, #tpu.memory_space<semaphore_mem>>
      %dma_start3A_249 = arith.constant 0 : i32
      %dma_start3A_250 = tpu.memref_slice %arg3[%mul3A_2, %dma_start3A_249] : memref<128x128xi32, #tpu.memory_space<hbm>> -> memref<4x128xi32, #tpu.memory_space<hbm>>
      %dma_start3A_251 = arith.constant 0 : i32
      %dma_start3A_252 = tpu.memref_slice %arg3[%mul3A_2, %dma_start3A_251] : memref<128x128xi32, #tpu.memory_space<hbm>> -> memref<4x128xi32, #tpu.memory_space<hbm>>
      tpu.enqueue_dma source(%dma_start3A_252 : memref<4x128xi32, #tpu.memory_space<hbm>>) target(%arg5 : memref<4x128xi32, #tpu.memory_space<vmem>>) target_semaphore(%run_scoped3A : memref<!tpu.dma_semaphore, #tpu.memory_space<semaphore_mem>>)
      %dma_wait3A_253 = arith.constant 0 : i32
      %dma_wait3A_254 = tpu.memref_slice %arg3[%mul3A_2, %dma_wait3A_253] : memref<128x128xi32, #tpu.memory_space<hbm>> -> memref<4x128xi32, #tpu.memory_space<hbm>>
      %dma_wait3A_255 = arith.constant 0 : i32
      %dma_wait3A_256 = tpu.memref_slice %arg3[%mul3A_2, %dma_wait3A_255] : memref<128x128xi32, #tpu.memory_space<hbm>> -> memref<4x128xi32, #tpu.memory_space<hbm>>
      tpu.wait_dma2 semaphore(%run_scoped3A : memref<!tpu.dma_semaphore, #tpu.memory_space<semaphore_mem>>) src(%dma_wait3A_256 : memref<4x128xi32, #tpu.memory_space<hbm>>) dst(%arg5 : memref<4x128xi32, #tpu.memory_space<vmem>>)
      tpu.yield
    }) : () -> ()
    %dma_start3A = arith.constant 0 : i32
    %dma_start3A_3 = arith.constant 0 : i32
    %dma_start3A_4 = arith.constant 0 : i32
    %dma_start3A_5 = arith.constant 0 : i32
    %dma_start3A_6 = tpu.memref_slice %arg6[%dma_start3A_3, %dma_start3A_4, %dma_start3A_5] : memref<4x128x128xf32, #tpu.memory_space<vmem>> -> memref<1x128x128xf32, #tpu.memory_space<vmem>>
    %dma_start3A_7 = tpu.memref_squeeze %dma_start3A_6 : memref<1x128x128xf32, #tpu.memory_space<vmem>> -> memref<128x128xf32, #tpu.memory_space<vmem>>
    %dma_start3A_8 = arith.constant 0 : i32
    %dma_start3A_9 = tpu.memref_slice %arg5[%dma_start3A, %dma_start3A_8] : memref<4x128xi32, #tpu.memory_space<vmem>> -> memref<1x128xi32, #tpu.memory_space<vmem>>
    %dma_start3A_10 = tpu.memref_squeeze %dma_start3A_9 : memref<1x128xi32, #tpu.memory_space<vmem>> -> memref<128xi32, #tpu.memory_space<vmem>>
    %dma_start3A_11 = arith.constant 0 : i32
    %dma_start3A_12 = arith.constant 0 : i32
    %dma_start3A_13 = tpu.memref_slice %arg2[%dma_start3A_11, %dma_start3A_12] : memref<1000000x128xf32, #tpu.memory_space<hbm>> -> memref<1000000x128xf32, #tpu.memory_space<hbm>>
    tpu.enqueue_indirect_dma source(%dma_start3A_13 : memref<1000000x128xf32, #tpu.memory_space<hbm>>) target(%dma_start3A_7 : memref<128x128xf32, #tpu.memory_space<vmem>>) offsets(%dma_start3A_10 : memref<128xi32, #tpu.memory_space<vmem>>) semaphore(%arg7 : memref<!tpu.dma_semaphore, #tpu.memory_space<semaphore_mem>>)
    %dma_start3A_14 = arith.constant 1 : i32
    %dma_start3A_15 = arith.constant 1 : i32
    %dma_start3A_16 = arith.constant 0 : i32
    %dma_start3A_17 = arith.constant 0 : i32
    %dma_start3A_18 = tpu.memref_slice %arg6[%dma_start3A_15, %dma_start3A_16, %dma_start3A_17] : memref<4x128x128xf32, #tpu.memory_space<vmem>> -> memref<1x128x128xf32, #tpu.memory_space<vmem>>
    %dma_start3A_19 = tpu.memref_squeeze %dma_start3A_18 : memref<1x128x128xf32, #tpu.memory_space<vmem>> -> memref<128x128xf32, #tpu.memory_space<vmem>>
    %dma_start3A_20 = arith.constant 0 : i32
    %dma_start3A_21 = tpu.memref_slice %arg5[%dma_start3A_14, %dma_start3A_20] : memref<4x128xi32, #tpu.memory_space<vmem>> -> memref<1x128xi32, #tpu.memory_space<vmem>>
    %dma_start3A_22 = tpu.memref_squeeze %dma_start3A_21 : memref<1x128xi32, #tpu.memory_space<vmem>> -> memref<128xi32, #tpu.memory_space<vmem>>
    %dma_start3A_23 = arith.constant 0 : i32
    %dma_start3A_24 = arith.constant 0 : i32
    %dma_start3A_25 = tpu.memref_slice %arg2[%dma_start3A_23, %dma_start3A_24] : memref<1000000x128xf32, #tpu.memory_space<hbm>> -> memref<1000000x128xf32, #tpu.memory_space<hbm>>
    tpu.enqueue_indirect_dma source(%dma_start3A_25 : memref<1000000x128xf32, #tpu.memory_space<hbm>>) target(%dma_start3A_19 : memref<128x128xf32, #tpu.memory_space<vmem>>) offsets(%dma_start3A_22 : memref<128xi32, #tpu.memory_space<vmem>>) semaphore(%arg7 : memref<!tpu.dma_semaphore, #tpu.memory_space<semaphore_mem>>)
    %dma_start3A_26 = arith.constant 2 : i32
    %dma_start3A_27 = arith.constant 2 : i32
    %dma_start3A_28 = arith.constant 0 : i32
    %dma_start3A_29 = arith.constant 0 : i32
    %dma_start3A_30 = tpu.memref_slice %arg6[%dma_start3A_27, %dma_start3A_28, %dma_start3A_29] : memref<4x128x128xf32, #tpu.memory_space<vmem>> -> memref<1x128x128xf32, #tpu.memory_space<vmem>>
    %dma_start3A_31 = tpu.memref_squeeze %dma_start3A_30 : memref<1x128x128xf32, #tpu.memory_space<vmem>> -> memref<128x128xf32, #tpu.memory_space<vmem>>
    %dma_start3A_32 = arith.constant 0 : i32
    %dma_start3A_33 = tpu.memref_slice %arg5[%dma_start3A_26, %dma_start3A_32] : memref<4x128xi32, #tpu.memory_space<vmem>> -> memref<1x128xi32, #tpu.memory_space<vmem>>
    %dma_start3A_34 = tpu.memref_squeeze %dma_start3A_33 : memref<1x128xi32, #tpu.memory_space<vmem>> -> memref<128xi32, #tpu.memory_space<vmem>>
    %dma_start3A_35 = arith.constant 0 : i32
    %dma_start3A_36 = arith.constant 0 : i32
    %dma_start3A_37 = tpu.memref_slice %arg2[%dma_start3A_35, %dma_start3A_36] : memref<1000000x128xf32, #tpu.memory_space<hbm>> -> memref<1000000x128xf32, #tpu.memory_space<hbm>>
    tpu.enqueue_indirect_dma source(%dma_start3A_37 : memref<1000000x128xf32, #tpu.memory_space<hbm>>) target(%dma_start3A_31 : memref<128x128xf32, #tpu.memory_space<vmem>>) offsets(%dma_start3A_34 : memref<128xi32, #tpu.memory_space<vmem>>) semaphore(%arg7 : memref<!tpu.dma_semaphore, #tpu.memory_space<semaphore_mem>>)
    %dma_start3A_38 = arith.constant 3 : i32
    %dma_start3A_39 = arith.constant 3 : i32
    %dma_start3A_40 = arith.constant 0 : i32
    %dma_start3A_41 = arith.constant 0 : i32
    %dma_start3A_42 = tpu.memref_slice %arg6[%dma_start3A_39, %dma_start3A_40, %dma_start3A_41] : memref<4x128x128xf32, #tpu.memory_space<vmem>> -> memref<1x128x128xf32, #tpu.memory_space<vmem>>
    %dma_start3A_43 = tpu.memref_squeeze %dma_start3A_42 : memref<1x128x128xf32, #tpu.memory_space<vmem>> -> memref<128x128xf32, #tpu.memory_space<vmem>>
    %dma_start3A_44 = arith.constant 0 : i32
    %dma_start3A_45 = tpu.memref_slice %arg5[%dma_start3A_38, %dma_start3A_44] : memref<4x128xi32, #tpu.memory_space<vmem>> -> memref<1x128xi32, #tpu.memory_space<vmem>>
    %dma_start3A_46 = tpu.memref_squeeze %dma_start3A_45 : memref<1x128xi32, #tpu.memory_space<vmem>> -> memref<128xi32, #tpu.memory_space<vmem>>
    %dma_start3A_47 = arith.constant 0 : i32
    %dma_start3A_48 = arith.constant 0 : i32
    %dma_start3A_49 = tpu.memref_slice %arg2[%dma_start3A_47, %dma_start3A_48] : memref<1000000x128xf32, #tpu.memory_space<hbm>> -> memref<1000000x128xf32, #tpu.memory_space<hbm>>
    tpu.enqueue_indirect_dma source(%dma_start3A_49 : memref<1000000x128xf32, #tpu.memory_space<hbm>>) target(%dma_start3A_43 : memref<128x128xf32, #tpu.memory_space<vmem>>) offsets(%dma_start3A_46 : memref<128xi32, #tpu.memory_space<vmem>>) semaphore(%arg7 : memref<!tpu.dma_semaphore, #tpu.memory_space<semaphore_mem>>)
    %dma_wait3A = arith.constant 0 : i32
    %dma_wait3A_50 = arith.constant 0 : i32
    %dma_wait3A_51 = arith.constant 0 : i32
    %dma_wait3A_52 = arith.constant 0 : i32
    %dma_wait3A_53 = tpu.memref_slice %arg6[%dma_wait3A_50, %dma_wait3A_51, %dma_wait3A_52] : memref<4x128x128xf32, #tpu.memory_space<vmem>> -> memref<1x128x128xf32, #tpu.memory_space<vmem>>
    %dma_wait3A_54 = tpu.memref_squeeze %dma_wait3A_53 : memref<1x128x128xf32, #tpu.memory_space<vmem>> -> memref<128x128xf32, #tpu.memory_space<vmem>>
    %dma_wait3A_55 = arith.constant 0 : i32
    %dma_wait3A_56 = tpu.memref_slice %arg5[%dma_wait3A, %dma_wait3A_55] : memref<4x128xi32, #tpu.memory_space<vmem>> -> memref<1x128xi32, #tpu.memory_space<vmem>>
    %dma_wait3A_57 = tpu.memref_squeeze %dma_wait3A_56 : memref<1x128xi32, #tpu.memory_space<vmem>> -> memref<128xi32, #tpu.memory_space<vmem>>
    %dma_wait3A_58 = arith.constant 0 : i32
    %dma_wait3A_59 = arith.constant 0 : i32
    %dma_wait3A_60 = tpu.memref_slice %arg2[%dma_wait3A_58, %dma_wait3A_59] : memref<1000000x128xf32, #tpu.memory_space<hbm>> -> memref<1000000x128xf32, #tpu.memory_space<hbm>>
    tpu.wait_indirect_dma semaphore(%arg7 : memref<!tpu.dma_semaphore, #tpu.memory_space<semaphore_mem>>) src(%dma_wait3A_60 : memref<1000000x128xf32, #tpu.memory_space<hbm>>) dst(%dma_wait3A_54 : memref<128x128xf32, #tpu.memory_space<vmem>>)
    %add3A_61 = arith.constant 0 : i32
    %add3A_62 = arith.addi %mul3A_2, %add3A_61 : i32
    %dma_start3A_63 = arith.constant 0 : i32
    %dma_start3A_64 = arith.constant 0 : i32
    %dma_start3A_65 = arith.constant 0 : i32
    %dma_start3A_66 = tpu.memref_slice %arg6[%dma_start3A_63, %dma_start3A_64, %dma_start3A_65] : memref<4x128x128xf32, #tpu.memory_space<vmem>> -> memref<1x128x128xf32, #tpu.memory_space<vmem>>
    %dma_start3A_67 = tpu.memref_squeeze %dma_start3A_66 : memref<1x128x128xf32, #tpu.memory_space<vmem>> -> memref<128x128xf32, #tpu.memory_space<vmem>>
    %dma_start3A_68 = arith.constant 0 : i32
    %dma_start3A_69 = arith.constant 0 : i32
    %dma_start3A_70 = tpu.memref_slice %arg4[%add3A_62, %dma_start3A_68, %dma_start3A_69] : memref<128x128x128xf32, #tpu.memory_space<hbm>> -> memref<1x128x128xf32, #tpu.memory_space<hbm>>
    %dma_start3A_71 = tpu.memref_squeeze %dma_start3A_70 : memref<1x128x128xf32, #tpu.memory_space<hbm>> -> memref<128x128xf32, #tpu.memory_space<hbm>>
    %dma_start3A_72 = arith.constant 0 : i32
    %dma_start3A_73 = arith.constant 0 : i32
    %dma_start3A_74 = tpu.memref_slice %arg4[%add3A_62, %dma_start3A_72, %dma_start3A_73] : memref<128x128x128xf32, #tpu.memory_space<hbm>> -> memref<1x128x128xf32, #tpu.memory_space<hbm>>
    %dma_start3A_75 = tpu.memref_squeeze %dma_start3A_74 : memref<1x128x128xf32, #tpu.memory_space<hbm>> -> memref<128x128xf32, #tpu.memory_space<hbm>>
    %dma_start3A_76 = arith.constant 0 : i32
    %dma_start3A_77 = arith.constant 0 : i32
    %dma_start3A_78 = tpu.memref_slice %arg6[%dma_start3A_63, %dma_start3A_76, %dma_start3A_77] : memref<4x128x128xf32, #tpu.memory_space<vmem>> -> memref<1x128x128xf32, #tpu.memory_space<vmem>>
    %dma_start3A_79 = tpu.memref_squeeze %dma_start3A_78 : memref<1x128x128xf32, #tpu.memory_space<vmem>> -> memref<128x128xf32, #tpu.memory_space<vmem>>
    tpu.enqueue_dma source(%dma_start3A_79 : memref<128x128xf32, #tpu.memory_space<vmem>>) target(%dma_start3A_75 : memref<128x128xf32, #tpu.memory_space<hbm>>) target_semaphore(%arg8 : memref<!tpu.dma_semaphore, #tpu.memory_space<semaphore_mem>>)
    %dma_wait3A_80 = arith.constant 1 : i32
    %dma_wait3A_81 = arith.constant 1 : i32
    %dma_wait3A_82 = arith.constant 0 : i32
    %dma_wait3A_83 = arith.constant 0 : i32
    %dma_wait3A_84 = tpu.memref_slice %arg6[%dma_wait3A_81, %dma_wait3A_82, %dma_wait3A_83] : memref<4x128x128xf32, #tpu.memory_space<vmem>> -> memref<1x128x128xf32, #tpu.memory_space<vmem>>
    %dma_wait3A_85 = tpu.memref_squeeze %dma_wait3A_84 : memref<1x128x128xf32, #tpu.memory_space<vmem>> -> memref<128x128xf32, #tpu.memory_space<vmem>>
    %dma_wait3A_86 = arith.constant 0 : i32
    %dma_wait3A_87 = tpu.memref_slice %arg5[%dma_wait3A_80, %dma_wait3A_86] : memref<4x128xi32, #tpu.memory_space<vmem>> -> memref<1x128xi32, #tpu.memory_space<vmem>>
    %dma_wait3A_88 = tpu.memref_squeeze %dma_wait3A_87 : memref<1x128xi32, #tpu.memory_space<vmem>> -> memref<128xi32, #tpu.memory_space<vmem>>
    %dma_wait3A_89 = arith.constant 0 : i32
    %dma_wait3A_90 = arith.constant 0 : i32
    %dma_wait3A_91 = tpu.memref_slice %arg2[%dma_wait3A_89, %dma_wait3A_90] : memref<1000000x128xf32, #tpu.memory_space<hbm>> -> memref<1000000x128xf32, #tpu.memory_space<hbm>>
    tpu.wait_indirect_dma semaphore(%arg7 : memref<!tpu.dma_semaphore, #tpu.memory_space<semaphore_mem>>) src(%dma_wait3A_91 : memref<1000000x128xf32, #tpu.memory_space<hbm>>) dst(%dma_wait3A_85 : memref<128x128xf32, #tpu.memory_space<vmem>>)
    %add3A_92 = arith.constant 1 : i32
    %add3A_93 = arith.addi %mul3A_2, %add3A_92 : i32
    %dma_start3A_94 = arith.constant 1 : i32
    %dma_start3A_95 = arith.constant 0 : i32
    %dma_start3A_96 = arith.constant 0 : i32
    %dma_start3A_97 = tpu.memref_slice %arg6[%dma_start3A_94, %dma_start3A_95, %dma_start3A_96] : memref<4x128x128xf32, #tpu.memory_space<vmem>> -> memref<1x128x128xf32, #tpu.memory_space<vmem>>
    %dma_start3A_98 = tpu.memref_squeeze %dma_start3A_97 : memref<1x128x128xf32, #tpu.memory_space<vmem>> -> memref<128x128xf32, #tpu.memory_space<vmem>>
    %dma_start3A_99 = arith.constant 0 : i32
    %dma_start3A_100 = arith.constant 0 : i32
    %dma_start3A_101 = tpu.memref_slice %arg4[%add3A_93, %dma_start3A_99, %dma_start3A_100] : memref<128x128x128xf32, #tpu.memory_space<hbm>> -> memref<1x128x128xf32, #tpu.memory_space<hbm>>
    %dma_start3A_102 = tpu.memref_squeeze %dma_start3A_101 : memref<1x128x128xf32, #tpu.memory_space<hbm>> -> memref<128x128xf32, #tpu.memory_space<hbm>>
    %dma_start3A_103 = arith.constant 0 : i32
    %dma_start3A_104 = arith.constant 0 : i32
    %dma_start3A_105 = tpu.memref_slice %arg4[%add3A_93, %dma_start3A_103, %dma_start3A_104] : memref<128x128x128xf32, #tpu.memory_space<hbm>> -> memref<1x128x128xf32, #tpu.memory_space<hbm>>
    %dma_start3A_106 = tpu.memref_squeeze %dma_start3A_105 : memref<1x128x128xf32, #tpu.memory_space<hbm>> -> memref<128x128xf32, #tpu.memory_space<hbm>>
    %dma_start3A_107 = arith.constant 0 : i32
    %dma_start3A_108 = arith.constant 0 : i32
    %dma_start3A_109 = tpu.memref_slice %arg6[%dma_start3A_94, %dma_start3A_107, %dma_start3A_108] : memref<4x128x128xf32, #tpu.memory_space<vmem>> -> memref<1x128x128xf32, #tpu.memory_space<vmem>>
    %dma_start3A_110 = tpu.memref_squeeze %dma_start3A_109 : memref<1x128x128xf32, #tpu.memory_space<vmem>> -> memref<128x128xf32, #tpu.memory_space<vmem>>
    tpu.enqueue_dma source(%dma_start3A_110 : memref<128x128xf32, #tpu.memory_space<vmem>>) target(%dma_start3A_106 : memref<128x128xf32, #tpu.memory_space<hbm>>) target_semaphore(%arg8 : memref<!tpu.dma_semaphore, #tpu.memory_space<semaphore_mem>>)
    %dma_wait3A_111 = arith.constant 2 : i32
    %dma_wait3A_112 = arith.constant 2 : i32
    %dma_wait3A_113 = arith.constant 0 : i32
    %dma_wait3A_114 = arith.constant 0 : i32
    %dma_wait3A_115 = tpu.memref_slice %arg6[%dma_wait3A_112, %dma_wait3A_113, %dma_wait3A_114] : memref<4x128x128xf32, #tpu.memory_space<vmem>> -> memref<1x128x128xf32, #tpu.memory_space<vmem>>
    %dma_wait3A_116 = tpu.memref_squeeze %dma_wait3A_115 : memref<1x128x128xf32, #tpu.memory_space<vmem>> -> memref<128x128xf32, #tpu.memory_space<vmem>>
    %dma_wait3A_117 = arith.constant 0 : i32
    %dma_wait3A_118 = tpu.memref_slice %arg5[%dma_wait3A_111, %dma_wait3A_117] : memref<4x128xi32, #tpu.memory_space<vmem>> -> memref<1x128xi32, #tpu.memory_space<vmem>>
    %dma_wait3A_119 = tpu.memref_squeeze %dma_wait3A_118 : memref<1x128xi32, #tpu.memory_space<vmem>> -> memref<128xi32, #tpu.memory_space<vmem>>
    %dma_wait3A_120 = arith.constant 0 : i32
    %dma_wait3A_121 = arith.constant 0 : i32
    %dma_wait3A_122 = tpu.memref_slice %arg2[%dma_wait3A_120, %dma_wait3A_121] : memref<1000000x128xf32, #tpu.memory_space<hbm>> -> memref<1000000x128xf32, #tpu.memory_space<hbm>>
    tpu.wait_indirect_dma semaphore(%arg7 : memref<!tpu.dma_semaphore, #tpu.memory_space<semaphore_mem>>) src(%dma_wait3A_122 : memref<1000000x128xf32, #tpu.memory_space<hbm>>) dst(%dma_wait3A_116 : memref<128x128xf32, #tpu.memory_space<vmem>>)
    %add3A_123 = arith.constant 2 : i32
    %add3A_124 = arith.addi %mul3A_2, %add3A_123 : i32
    %dma_start3A_125 = arith.constant 2 : i32
    %dma_start3A_126 = arith.constant 0 : i32
    %dma_start3A_127 = arith.constant 0 : i32
    %dma_start3A_128 = tpu.memref_slice %arg6[%dma_start3A_125, %dma_start3A_126, %dma_start3A_127] : memref<4x128x128xf32, #tpu.memory_space<vmem>> -> memref<1x128x128xf32, #tpu.memory_space<vmem>>
    %dma_start3A_129 = tpu.memref_squeeze %dma_start3A_128 : memref<1x128x128xf32, #tpu.memory_space<vmem>> -> memref<128x128xf32, #tpu.memory_space<vmem>>
    %dma_start3A_130 = arith.constant 0 : i32
    %dma_start3A_131 = arith.constant 0 : i32
    %dma_start3A_132 = tpu.memref_slice %arg4[%add3A_124, %dma_start3A_130, %dma_start3A_131] : memref<128x128x128xf32, #tpu.memory_space<hbm>> -> memref<1x128x128xf32, #tpu.memory_space<hbm>>
    %dma_start3A_133 = tpu.memref_squeeze %dma_start3A_132 : memref<1x128x128xf32, #tpu.memory_space<hbm>> -> memref<128x128xf32, #tpu.memory_space<hbm>>
    %dma_start3A_134 = arith.constant 0 : i32
    %dma_start3A_135 = arith.constant 0 : i32
    %dma_start3A_136 = tpu.memref_slice %arg4[%add3A_124, %dma_start3A_134, %dma_start3A_135] : memref<128x128x128xf32, #tpu.memory_space<hbm>> -> memref<1x128x128xf32, #tpu.memory_space<hbm>>
    %dma_start3A_137 = tpu.memref_squeeze %dma_start3A_136 : memref<1x128x128xf32, #tpu.memory_space<hbm>> -> memref<128x128xf32, #tpu.memory_space<hbm>>
    %dma_start3A_138 = arith.constant 0 : i32
    %dma_start3A_139 = arith.constant 0 : i32
    %dma_start3A_140 = tpu.memref_slice %arg6[%dma_start3A_125, %dma_start3A_138, %dma_start3A_139] : memref<4x128x128xf32, #tpu.memory_space<vmem>> -> memref<1x128x128xf32, #tpu.memory_space<vmem>>
    %dma_start3A_141 = tpu.memref_squeeze %dma_start3A_140 : memref<1x128x128xf32, #tpu.memory_space<vmem>> -> memref<128x128xf32, #tpu.memory_space<vmem>>
    tpu.enqueue_dma source(%dma_start3A_141 : memref<128x128xf32, #tpu.memory_space<vmem>>) target(%dma_start3A_137 : memref<128x128xf32, #tpu.memory_space<hbm>>) target_semaphore(%arg8 : memref<!tpu.dma_semaphore, #tpu.memory_space<semaphore_mem>>)
    %dma_wait3A_142 = arith.constant 3 : i32
    %dma_wait3A_143 = arith.constant 3 : i32
    %dma_wait3A_144 = arith.constant 0 : i32
    %dma_wait3A_145 = arith.constant 0 : i32
    %dma_wait3A_146 = tpu.memref_slice %arg6[%dma_wait3A_143, %dma_wait3A_144, %dma_wait3A_145] : memref<4x128x128xf32, #tpu.memory_space<vmem>> -> memref<1x128x128xf32, #tpu.memory_space<vmem>>
    %dma_wait3A_147 = tpu.memref_squeeze %dma_wait3A_146 : memref<1x128x128xf32, #tpu.memory_space<vmem>> -> memref<128x128xf32, #tpu.memory_space<vmem>>
    %dma_wait3A_148 = arith.constant 0 : i32
    %dma_wait3A_149 = tpu.memref_slice %arg5[%dma_wait3A_142, %dma_wait3A_148] : memref<4x128xi32, #tpu.memory_space<vmem>> -> memref<1x128xi32, #tpu.memory_space<vmem>>
    %dma_wait3A_150 = tpu.memref_squeeze %dma_wait3A_149 : memref<1x128xi32, #tpu.memory_space<vmem>> -> memref<128xi32, #tpu.memory_space<vmem>>
    %dma_wait3A_151 = arith.constant 0 : i32
    %dma_wait3A_152 = arith.constant 0 : i32
    %dma_wait3A_153 = tpu.memref_slice %arg2[%dma_wait3A_151, %dma_wait3A_152] : memref<1000000x128xf32, #tpu.memory_space<hbm>> -> memref<1000000x128xf32, #tpu.memory_space<hbm>>
    tpu.wait_indirect_dma semaphore(%arg7 : memref<!tpu.dma_semaphore, #tpu.memory_space<semaphore_mem>>) src(%dma_wait3A_153 : memref<1000000x128xf32, #tpu.memory_space<hbm>>) dst(%dma_wait3A_147 : memref<128x128xf32, #tpu.memory_space<vmem>>)
    %add3A_154 = arith.constant 3 : i32
    %add3A_155 = arith.addi %mul3A_2, %add3A_154 : i32
    %dma_start3A_156 = arith.constant 3 : i32
    %dma_start3A_157 = arith.constant 0 : i32
    %dma_start3A_158 = arith.constant 0 : i32
    %dma_start3A_159 = tpu.memref_slice %arg6[%dma_start3A_156, %dma_start3A_157, %dma_start3A_158] : memref<4x128x128xf32, #tpu.memory_space<vmem>> -> memref<1x128x128xf32, #tpu.memory_space<vmem>>
    %dma_start3A_160 = tpu.memref_squeeze %dma_start3A_159 : memref<1x128x128xf32, #tpu.memory_space<vmem>> -> memref<128x128xf32, #tpu.memory_space<vmem>>
    %dma_start3A_161 = arith.constant 0 : i32
    %dma_start3A_162 = arith.constant 0 : i32
    %dma_start3A_163 = tpu.memref_slice %arg4[%add3A_155, %dma_start3A_161, %dma_start3A_162] : memref<128x128x128xf32, #tpu.memory_space<hbm>> -> memref<1x128x128xf32, #tpu.memory_space<hbm>>
    %dma_start3A_164 = tpu.memref_squeeze %dma_start3A_163 : memref<1x128x128xf32, #tpu.memory_space<hbm>> -> memref<128x128xf32, #tpu.memory_space<hbm>>
    %dma_start3A_165 = arith.constant 0 : i32
    %dma_start3A_166 = arith.constant 0 : i32
    %dma_start3A_167 = tpu.memref_slice %arg4[%add3A_155, %dma_start3A_165, %dma_start3A_166] : memref<128x128x128xf32, #tpu.memory_space<hbm>> -> memref<1x128x128xf32, #tpu.memory_space<hbm>>
    %dma_start3A_168 = tpu.memref_squeeze %dma_start3A_167 : memref<1x128x128xf32, #tpu.memory_space<hbm>> -> memref<128x128xf32, #tpu.memory_space<hbm>>
    %dma_start3A_169 = arith.constant 0 : i32
    %dma_start3A_170 = arith.constant 0 : i32
    %dma_start3A_171 = tpu.memref_slice %arg6[%dma_start3A_156, %dma_start3A_169, %dma_start3A_170] : memref<4x128x128xf32, #tpu.memory_space<vmem>> -> memref<1x128x128xf32, #tpu.memory_space<vmem>>
    %dma_start3A_172 = tpu.memref_squeeze %dma_start3A_171 : memref<1x128x128xf32, #tpu.memory_space<vmem>> -> memref<128x128xf32, #tpu.memory_space<vmem>>
    tpu.enqueue_dma source(%dma_start3A_172 : memref<128x128xf32, #tpu.memory_space<vmem>>) target(%dma_start3A_168 : memref<128x128xf32, #tpu.memory_space<hbm>>) target_semaphore(%arg8 : memref<!tpu.dma_semaphore, #tpu.memory_space<semaphore_mem>>)
    %add3A_173 = arith.constant 0 : i32
    %add3A_174 = arith.addi %mul3A_2, %add3A_173 : i32
    %dma_wait3A_175 = arith.constant 0 : i32
    %dma_wait3A_176 = arith.constant 0 : i32
    %dma_wait3A_177 = arith.constant 0 : i32
    %dma_wait3A_178 = tpu.memref_slice %arg6[%dma_wait3A_175, %dma_wait3A_176, %dma_wait3A_177] : memref<4x128x128xf32, #tpu.memory_space<vmem>> -> memref<1x128x128xf32, #tpu.memory_space<vmem>>
    %dma_wait3A_179 = tpu.memref_squeeze %dma_wait3A_178 : memref<1x128x128xf32, #tpu.memory_space<vmem>> -> memref<128x128xf32, #tpu.memory_space<vmem>>
    %dma_wait3A_180 = arith.constant 0 : i32
    %dma_wait3A_181 = arith.constant 0 : i32
    %dma_wait3A_182 = tpu.memref_slice %arg4[%add3A_174, %dma_wait3A_180, %dma_wait3A_181] : memref<128x128x128xf32, #tpu.memory_space<hbm>> -> memref<1x128x128xf32, #tpu.memory_space<hbm>>
    %dma_wait3A_183 = tpu.memref_squeeze %dma_wait3A_182 : memref<1x128x128xf32, #tpu.memory_space<hbm>> -> memref<128x128xf32, #tpu.memory_space<hbm>>
    %dma_wait3A_184 = arith.constant 0 : i32
    %dma_wait3A_185 = arith.constant 0 : i32
    %dma_wait3A_186 = tpu.memref_slice %arg4[%add3A_174, %dma_wait3A_184, %dma_wait3A_185] : memref<128x128x128xf32, #tpu.memory_space<hbm>> -> memref<1x128x128xf32, #tpu.memory_space<hbm>>
    %dma_wait3A_187 = tpu.memref_squeeze %dma_wait3A_186 : memref<1x128x128xf32, #tpu.memory_space<hbm>> -> memref<128x128xf32, #tpu.memory_space<hbm>>
    %dma_wait3A_188 = arith.constant 0 : i32
    %dma_wait3A_189 = arith.constant 0 : i32
    %dma_wait3A_190 = tpu.memref_slice %arg6[%dma_wait3A_175, %dma_wait3A_188, %dma_wait3A_189] : memref<4x128x128xf32, #tpu.memory_space<vmem>> -> memref<1x128x128xf32, #tpu.memory_space<vmem>>
    %dma_wait3A_191 = tpu.memref_squeeze %dma_wait3A_190 : memref<1x128x128xf32, #tpu.memory_space<vmem>> -> memref<128x128xf32, #tpu.memory_space<vmem>>
    tpu.wait_dma2 semaphore(%arg8 : memref<!tpu.dma_semaphore, #tpu.memory_space<semaphore_mem>>) src(%dma_wait3A_191 : memref<128x128xf32, #tpu.memory_space<vmem>>) dst(%dma_wait3A_187 : memref<128x128xf32, #tpu.memory_space<hbm>>)
    %add3A_192 = arith.constant 1 : i32
    %add3A_193 = arith.addi %mul3A_2, %add3A_192 : i32
    %dma_wait3A_194 = arith.constant 1 : i32
    %dma_wait3A_195 = arith.constant 0 : i32
    %dma_wait3A_196 = arith.constant 0 : i32
    %dma_wait3A_197 = tpu.memref_slice %arg6[%dma_wait3A_194, %dma_wait3A_195, %dma_wait3A_196] : memref<4x128x128xf32, #tpu.memory_space<vmem>> -> memref<1x128x128xf32, #tpu.memory_space<vmem>>
    %dma_wait3A_198 = tpu.memref_squeeze %dma_wait3A_197 : memref<1x128x128xf32, #tpu.memory_space<vmem>> -> memref<128x128xf32, #tpu.memory_space<vmem>>
    %dma_wait3A_199 = arith.constant 0 : i32
    %dma_wait3A_200 = arith.constant 0 : i32
    %dma_wait3A_201 = tpu.memref_slice %arg4[%add3A_193, %dma_wait3A_199, %dma_wait3A_200] : memref<128x128x128xf32, #tpu.memory_space<hbm>> -> memref<1x128x128xf32, #tpu.memory_space<hbm>>
    %dma_wait3A_202 = tpu.memref_squeeze %dma_wait3A_201 : memref<1x128x128xf32, #tpu.memory_space<hbm>> -> memref<128x128xf32, #tpu.memory_space<hbm>>
    %dma_wait3A_203 = arith.constant 0 : i32
    %dma_wait3A_204 = arith.constant 0 : i32
    %dma_wait3A_205 = tpu.memref_slice %arg4[%add3A_193, %dma_wait3A_203, %dma_wait3A_204] : memref<128x128x128xf32, #tpu.memory_space<hbm>> -> memref<1x128x128xf32, #tpu.memory_space<hbm>>
    %dma_wait3A_206 = tpu.memref_squeeze %dma_wait3A_205 : memref<1x128x128xf32, #tpu.memory_space<hbm>> -> memref<128x128xf32, #tpu.memory_space<hbm>>
    %dma_wait3A_207 = arith.constant 0 : i32
    %dma_wait3A_208 = arith.constant 0 : i32
    %dma_wait3A_209 = tpu.memref_slice %arg6[%dma_wait3A_194, %dma_wait3A_207, %dma_wait3A_208] : memref<4x128x128xf32, #tpu.memory_space<vmem>> -> memref<1x128x128xf32, #tpu.memory_space<vmem>>
    %dma_wait3A_210 = tpu.memref_squeeze %dma_wait3A_209 : memref<1x128x128xf32, #tpu.memory_space<vmem>> -> memref<128x128xf32, #tpu.memory_space<vmem>>
    tpu.wait_dma2 semaphore(%arg8 : memref<!tpu.dma_semaphore, #tpu.memory_space<semaphore_mem>>) src(%dma_wait3A_210 : memref<128x128xf32, #tpu.memory_space<vmem>>) dst(%dma_wait3A_206 : memref<128x128xf32, #tpu.memory_space<hbm>>)
    %add3A_211 = arith.constant 2 : i32
    %add3A_212 = arith.addi %mul3A_2, %add3A_211 : i32
    %dma_wait3A_213 = arith.constant 2 : i32
    %dma_wait3A_214 = arith.constant 0 : i32
    %dma_wait3A_215 = arith.constant 0 : i32
    %dma_wait3A_216 = tpu.memref_slice %arg6[%dma_wait3A_213, %dma_wait3A_214, %dma_wait3A_215] : memref<4x128x128xf32, #tpu.memory_space<vmem>> -> memref<1x128x128xf32, #tpu.memory_space<vmem>>
    %dma_wait3A_217 = tpu.memref_squeeze %dma_wait3A_216 : memref<1x128x128xf32, #tpu.memory_space<vmem>> -> memref<128x128xf32, #tpu.memory_space<vmem>>
    %dma_wait3A_218 = arith.constant 0 : i32
    %dma_wait3A_219 = arith.constant 0 : i32
    %dma_wait3A_220 = tpu.memref_slice %arg4[%add3A_212, %dma_wait3A_218, %dma_wait3A_219] : memref<128x128x128xf32, #tpu.memory_space<hbm>> -> memref<1x128x128xf32, #tpu.memory_space<hbm>>
    %dma_wait3A_221 = tpu.memref_squeeze %dma_wait3A_220 : memref<1x128x128xf32, #tpu.memory_space<hbm>> -> memref<128x128xf32, #tpu.memory_space<hbm>>
    %dma_wait3A_222 = arith.constant 0 : i32
    %dma_wait3A_223 = arith.constant 0 : i32
    %dma_wait3A_224 = tpu.memref_slice %arg4[%add3A_212, %dma_wait3A_222, %dma_wait3A_223] : memref<128x128x128xf32, #tpu.memory_space<hbm>> -> memref<1x128x128xf32, #tpu.memory_space<hbm>>
    %dma_wait3A_225 = tpu.memref_squeeze %dma_wait3A_224 : memref<1x128x128xf32, #tpu.memory_space<hbm>> -> memref<128x128xf32, #tpu.memory_space<hbm>>
    %dma_wait3A_226 = arith.constant 0 : i32
    %dma_wait3A_227 = arith.constant 0 : i32
    %dma_wait3A_228 = tpu.memref_slice %arg6[%dma_wait3A_213, %dma_wait3A_226, %dma_wait3A_227] : memref<4x128x128xf32, #tpu.memory_space<vmem>> -> memref<1x128x128xf32, #tpu.memory_space<vmem>>
    %dma_wait3A_229 = tpu.memref_squeeze %dma_wait3A_228 : memref<1x128x128xf32, #tpu.memory_space<vmem>> -> memref<128x128xf32, #tpu.memory_space<vmem>>
    tpu.wait_dma2 semaphore(%arg8 : memref<!tpu.dma_semaphore, #tpu.memory_space<semaphore_mem>>) src(%dma_wait3A_229 : memref<128x128xf32, #tpu.memory_space<vmem>>) dst(%dma_wait3A_225 : memref<128x128xf32, #tpu.memory_space<hbm>>)
    %add3A_230 = arith.constant 3 : i32
    %add3A_231 = arith.addi %mul3A_2, %add3A_230 : i32
    %dma_wait3A_232 = arith.constant 3 : i32
    %dma_wait3A_233 = arith.constant 0 : i32
    %dma_wait3A_234 = arith.constant 0 : i32
    %dma_wait3A_235 = tpu.memref_slice %arg6[%dma_wait3A_232, %dma_wait3A_233, %dma_wait3A_234] : memref<4x128x128xf32, #tpu.memory_space<vmem>> -> memref<1x128x128xf32, #tpu.memory_space<vmem>>
    %dma_wait3A_236 = tpu.memref_squeeze %dma_wait3A_235 : memref<1x128x128xf32, #tpu.memory_space<vmem>> -> memref<128x128xf32, #tpu.memory_space<vmem>>
    %dma_wait3A_237 = arith.constant 0 : i32
    %dma_wait3A_238 = arith.constant 0 : i32
    %dma_wait3A_239 = tpu.memref_slice %arg4[%add3A_231, %dma_wait3A_237, %dma_wait3A_238] : memref<128x128x128xf32, #tpu.memory_space<hbm>> -> memref<1x128x128xf32, #tpu.memory_space<hbm>>
    %dma_wait3A_240 = tpu.memref_squeeze %dma_wait3A_239 : memref<1x128x128xf32, #tpu.memory_space<hbm>> -> memref<128x128xf32, #tpu.memory_space<hbm>>
    %dma_wait3A_241 = arith.constant 0 : i32
    %dma_wait3A_242 = arith.constant 0 : i32
    %dma_wait3A_243 = tpu.memref_slice %arg4[%add3A_231, %dma_wait3A_241, %dma_wait3A_242] : memref<128x128x128xf32, #tpu.memory_space<hbm>> -> memref<1x128x128xf32, #tpu.memory_space<hbm>>
    %dma_wait3A_244 = tpu.memref_squeeze %dma_wait3A_243 : memref<1x128x128xf32, #tpu.memory_space<hbm>> -> memref<128x128xf32, #tpu.memory_space<hbm>>
    %dma_wait3A_245 = arith.constant 0 : i32
    %dma_wait3A_246 = arith.constant 0 : i32
    %dma_wait3A_247 = tpu.memref_slice %arg6[%dma_wait3A_232, %dma_wait3A_245, %dma_wait3A_246] : memref<4x128x128xf32, #tpu.memory_space<vmem>> -> memref<1x128x128xf32, #tpu.memory_space<vmem>>
    %dma_wait3A_248 = tpu.memref_squeeze %dma_wait3A_247 : memref<1x128x128xf32, #tpu.memory_space<vmem>> -> memref<128x128xf32, #tpu.memory_space<vmem>>
    tpu.wait_dma2 semaphore(%arg8 : memref<!tpu.dma_semaphore, #tpu.memory_space<semaphore_mem>>) src(%dma_wait3A_248 : memref<128x128xf32, #tpu.memory_space<vmem>>) dst(%dma_wait3A_244 : memref<128x128xf32, #tpu.memory_space<hbm>>)
    return
  }
}

module attributes {stable_mosaic.version = 14 : i64} {
  func.func @_mlp_body(%arg0: i32, %arg1: memref<4096x128xf32, #tpu.memory_space<vmem>>, %arg2: memref<256x128xf32, #tpu.memory_space<vmem>>, %arg3: memref<256x1xf32, #tpu.memory_space<vmem>>, %arg4: memref<19x256xf32, #tpu.memory_space<vmem>>, %arg5: memref<19x1xf32, #tpu.memory_space<vmem>>, %arg6: memref<4096x18xf32, #tpu.memory_space<vmem>>, %arg7: memref<4096x1xf32, #tpu.memory_space<vmem>>) attributes {dimension_semantics = [#tpu.dimension_semantics<arbitrary>], iteration_bounds = array<i64: 4>, scalar_prefetch = 0 : i64, scratch_operands = 0 : i64, tpu.core_type = #tpu.core_type<tc>, window_params = [{transform_indices = @transform_0, window_bounds = array<i64: 4096, 128>}, {pipeline_mode = #tpu.pipeline_mode<synchronous>, transform_indices = @transform_1, window_bounds = array<i64: 256, 128>}, {pipeline_mode = #tpu.pipeline_mode<synchronous>, transform_indices = @transform_2, window_bounds = array<i64: 256, 1>}, {pipeline_mode = #tpu.pipeline_mode<synchronous>, transform_indices = @transform_3, window_bounds = array<i64: 19, 256>}, {pipeline_mode = #tpu.pipeline_mode<synchronous>, transform_indices = @transform_4, window_bounds = array<i64: 19, 1>}, {transform_indices = @transform_5, window_bounds = array<i64: 4096, 18>}, {transform_indices = @transform_6, window_bounds = array<i64: 4096, 1>}]} {
    %get3A = arith.constant 0 : index
    %get3A_0 = arith.constant 0 : index
    %get3A_1 = vector.load %arg1[%get3A, %get3A_0] : memref<4096x128xf32, #tpu.memory_space<vmem>>, vector<4096x128xf32>
    %get3A_2 = arith.constant 0 : index
    %get3A_3 = arith.constant 0 : index
    %get3A_4 = vector.load %arg2[%get3A_2, %get3A_3] : memref<256x128xf32, #tpu.memory_space<vmem>>, vector<256x128xf32>
    %dot_general3A = arith.constant dense<0.000000e+00> : vector<256x4096xf32>
    %dot_general3A_5 = tpu.matmul %get3A_4, %get3A_1, %dot_general3A {dimension_numbers = #tpu.dot_dimension_numbers<[1], [1], [0], [0], [0, 0, 1, 0], [], []>, transpose_lhs_hint = false} : vector<256x128xf32>, vector<4096x128xf32>, vector<256x4096xf32> -> vector<256x4096xf32>
    %get3A_6 = arith.constant 0 : index
    %get3A_7 = arith.constant 0 : index
    %get3A_8 = vector.load %arg3[%get3A_6, %get3A_7] : memref<256x1xf32, #tpu.memory_space<vmem>>, vector<256x1xf32>
    %add3A = vector.broadcast %get3A_8 : vector<256x1xf32> to vector<256x4096xf32>
    %add3A_9 = arith.addf %dot_general3A_5, %add3A : vector<256x4096xf32>
    %mul3A = arith.constant 5.000000e-01 : f32
    %mul3A_10 = vector.broadcast %mul3A : f32 to vector<256x4096xf32>
    %mul3A_11 = arith.mulf %mul3A_10, %add3A_9 : vector<256x4096xf32>
    %tanh3A = math.tanh %mul3A_11 : vector<256x4096xf32>
    %mul3A_12 = arith.constant 5.000000e-01 : f32
    %mul3A_13 = vector.broadcast %mul3A_12 : f32 to vector<256x4096xf32>
    %mul3A_14 = arith.mulf %mul3A_13, %tanh3A : vector<256x4096xf32>
    %add3A_15 = arith.constant 5.000000e-01 : f32
    %add3A_16 = vector.broadcast %add3A_15 : f32 to vector<256x4096xf32>
    %add3A_17 = arith.addf %mul3A_14, %add3A_16 : vector<256x4096xf32>
    %mul3A_18 = arith.mulf %add3A_9, %add3A_17 : vector<256x4096xf32>
    %get3A_19 = arith.constant 0 : index
    %get3A_20 = arith.constant 0 : index
    %get3A_21 = vector.load %arg4[%get3A_19, %get3A_20] : memref<19x256xf32, #tpu.memory_space<vmem>>, vector<19x256xf32>
    %dot_general3A_22 = arith.constant dense<0.000000e+00> : vector<19x4096xf32>
    %dot_general3A_23 = tpu.matmul %get3A_21, %mul3A_18, %dot_general3A_22 {dimension_numbers = #tpu.dot_dimension_numbers<[1], [0], [0], [1], [0, 0, 1, 1], [], []>, transpose_lhs_hint = false} : vector<19x256xf32>, vector<256x4096xf32>, vector<19x4096xf32> -> vector<19x4096xf32>
    %get3A_24 = arith.constant 0 : index
    %get3A_25 = arith.constant 0 : index
    %get3A_26 = vector.load %arg5[%get3A_24, %get3A_25] : memref<19x1xf32, #tpu.memory_space<vmem>>, vector<19x1xf32>
    %add3A_27 = vector.broadcast %get3A_26 : vector<19x1xf32> to vector<19x4096xf32>
    %add3A_28 = arith.addf %dot_general3A_23, %add3A_27 : vector<19x4096xf32>
    %slice3A = vector.extract_strided_slice %add3A_28 {offsets = [0, 0], sizes = [18, 4096], strides = [1, 1]} : vector<19x4096xf32> to vector<18x4096xf32>
    %reduce_max3A = arith.constant dense<0xFF800000> : vector<4096xf32>
    %reduce_max3A_29 = vector.multi_reduction <maximumf>, %slice3A, %reduce_max3A [0] : vector<18x4096xf32> to vector<4096xf32>
    %broadcast_in_dim3A = vector.shape_cast %reduce_max3A_29 : vector<4096xf32> to vector<1x4096xf32>
    %sub3A = vector.broadcast %broadcast_in_dim3A : vector<1x4096xf32> to vector<18x4096xf32>
    %sub3A_30 = arith.subf %slice3A, %sub3A : vector<18x4096xf32>
    %exp3A = math.exp %sub3A_30 : vector<18x4096xf32>
    %reduce_sum3A = arith.constant dense<0.000000e+00> : vector<4096xf32>
    %reduce_sum3A_31 = vector.multi_reduction <add>, %exp3A, %reduce_sum3A [0] : vector<18x4096xf32> to vector<4096xf32>
    %broadcast_in_dim3A_32 = vector.shape_cast %reduce_sum3A_31 : vector<4096xf32> to vector<1x4096xf32>
    %sub3A_33 = vector.broadcast %broadcast_in_dim3A : vector<1x4096xf32> to vector<18x4096xf32>
    %sub3A_34 = arith.subf %slice3A, %sub3A_33 : vector<18x4096xf32>
    %log3A = math.log %broadcast_in_dim3A_32 : vector<1x4096xf32>
    %sub3A_35 = vector.broadcast %log3A : vector<1x4096xf32> to vector<18x4096xf32>
    %sub3A_36 = arith.subf %sub3A_34, %sub3A_35 : vector<18x4096xf32>
    %transpose3A = tpu.transpose %sub3A_36, [1, 0] : vector<18x4096xf32> -> vector<4096x18xf32>
    %swap3A = arith.constant 0 : index
    %swap3A_37 = arith.constant 0 : index
    %swap3A_38 = vector.load %arg6[%swap3A, %swap3A_37] : memref<4096x18xf32, #tpu.memory_space<vmem>>, vector<4096x18xf32>
    tpu.vector_store %arg6[%swap3A, %swap3A_37], %transpose3A {strides = array<i32>} : memref<4096x18xf32, #tpu.memory_space<vmem>>, vector<4096x18xf32>,
    %slice3A_39 = vector.extract_strided_slice %add3A_28 {offsets = [18, 0], sizes = [1, 4096], strides = [1, 1]} : vector<19x4096xf32> to vector<1x4096xf32>
    %transpose3A_40 = tpu.transpose %slice3A_39, [1, 0] : vector<1x4096xf32> -> vector<4096x1xf32>
    %swap3A_41 = arith.constant 0 : index
    %swap3A_42 = arith.constant 0 : index
    %swap3A_43 = vector.load %arg7[%swap3A_41, %swap3A_42] : memref<4096x1xf32, #tpu.memory_space<vmem>>, vector<4096x1xf32>
    tpu.vector_store %arg7[%swap3A_41, %swap3A_42], %transpose3A_40 {strides = array<i32>} : memref<4096x1xf32, #tpu.memory_space<vmem>>, vector<4096x1xf32>,
    return
  }
  func.func @transform_0(%arg0: i32) -> (i32, i32) {
    %c0_i32 = arith.constant 0 : i32
    %c0_i32_0 = arith.constant 0 : i32
    return %arg0, %c0_i32 : i32, i32
  }
  func.func @transform_1(%arg0: i32) -> (i32, i32) {
    %c0_i32 = arith.constant 0 : i32
    %c0_i32_0 = arith.constant 0 : i32
    %c0_i32_1 = arith.constant 0 : i32
    return %c0_i32, %c0_i32_0 : i32, i32
  }
  func.func @transform_2(%arg0: i32) -> (i32, i32) {
    %c0_i32 = arith.constant 0 : i32
    %c0_i32_0 = arith.constant 0 : i32
    %c0_i32_1 = arith.constant 0 : i32
    return %c0_i32, %c0_i32_0 : i32, i32
  }
  func.func @transform_3(%arg0: i32) -> (i32, i32) {
    %c0_i32 = arith.constant 0 : i32
    %c0_i32_0 = arith.constant 0 : i32
    %c0_i32_1 = arith.constant 0 : i32
    return %c0_i32, %c0_i32_0 : i32, i32
  }
  func.func @transform_4(%arg0: i32) -> (i32, i32) {
    %c0_i32 = arith.constant 0 : i32
    %c0_i32_0 = arith.constant 0 : i32
    %c0_i32_1 = arith.constant 0 : i32
    return %c0_i32, %c0_i32_0 : i32, i32
  }
  func.func @transform_5(%arg0: i32) -> (i32, i32) {
    %c0_i32 = arith.constant 0 : i32
    %c0_i32_0 = arith.constant 0 : i32
    return %arg0, %c0_i32 : i32, i32
  }
  func.func @transform_6(%arg0: i32) -> (i32, i32) {
    %c0_i32 = arith.constant 0 : i32
    %c0_i32_0 = arith.constant 0 : i32
    return %arg0, %c0_i32 : i32, i32
  }
}

</mosaic_0001>

<sc_bundles>
// kernel: kernel.4.cloned.1.call-start
scs
__scs_entry_jumppad:
0x0: {  	(pc) =	sbr.rel $0x88, $3  }
0x1: {  	(tag) =	ssettag $0x0;
	lr =	simm.s32 $0x1  }
0x2: {  	[smem:$0x3F99] =	sst lr;
	_ =	strace $0xD0000000  }
0x3: {  	_ = 	snop  }
0x4: {  	_ = 	snop  }
0x5: {  	_ = 	snop  }
0x6: {  	_ = 	snop  }
0x7: {  	_ = 	snop  }
__scs_overlays_trampoline_lowered:
0x8: {  	[smem:$0x3FA8] =	sst s0  }
0x9: {  	[smem:$0x3FA9] =	sst s1  }
0xa: {  	[smem:$0x3FAA] =	sst s2  }
0xb: {  	[smem:$0x3FAB] =	sst s3  }
0xc: {  	[smem:$0x3FAC] =	sst s4  }
0xd: {  	[smem:$0x3FAD] =	sst s5  }
0xe: {  	[smem:$0x3FAE] =	sst s6  }
0xf: {  	[smem:$0x3FAF] =	sst s7  }
0x10: {  	[smem:$0x3FB0] =	sst s8  }
0x11: {  	[smem:$0x3FB1] =	sst s9;
	s0 =	simm.s32 @!p0 $0x0  }
0x12: {  	s1 =	sld [smem:$0x3F97];
	s0 =	simm.s32 @p0 $0x1  }
0x13: {  	[smem:$0x3FB2] =	sst s0;
	s0 =	simm.s32 @!p1 $0x0  }
0x14: {  	s2 =	sld [smem:$0x3F96];
	s0 =	simm.s32 @p1 $0x1  }
0x15: {  	[smem:$0x3FB3] =	sst s0;
	s0 =	simm.s32 @!p2 $0x0  }
0x16: {  	s3 =	sld [smem:$0x3FDB];
	s0 =	simm.s32 @p2 $0x1  }
0x17: {  	s4 =	simm.s32 $0x1BF5;
	[smem:$0x3FB5] =	sst s0  }
0x18: {  	s0 =	sld [smem:$0x3F98];
	_ =	swait.ge [sflag:s4], $0x0  }
0x19: {  	s7 =	sld [smem:$0x3F99]  }
0x1a: {  	s8 =	sadd.s32 $0xFFFFE003, lr  }
0x1b: {  	s9 =	sadd.s32 $0xFFFFFEF7, lr;
	s5 =	simm.s32 $0xFFFFFFFF;
	p2 =	slt.u32 s8, $0xFFFFF086  }
0x1c: {  	p1 =	slt.u32 s9, $0xF7A;
	s5 =	simm.s32 @!p2 $0x0  }
0x1d: {  	s5 =	simm.s32 @p1 $0x1;
	p0 =	seq.s32 s7, s2  }
0x1e: {  	s7 =	smul.u32 @!p0 $0xF7A, s2;
	p2 =	seq.s32 @!p0 s5, $0x0  }
0x1f: {  	s9 =	smul.u32 $0xF7A, s1;
	s8 =	simm.s32 @!p0 $0x1BF5;
	p2 =	por !p2, p0  }
0x20: {  	[sflag:s8] =	ssyncset.s32 @!p0 $0xFFFFF086;
	s6 =	sadd.s32 @!p0 s3, s7;
	s7 =	simm.s32 @!p0 $0x108  }
0x21: {  	s3 =	sadd.s32 s3, s9;
	s6 =	sadd.s32 @!p0 $0x88, s6;
	s7 =	simm.s32 @p2 $0x1082  }
0x22: {  	[simem:s7], [sflag:s8] =	dma.local @!p0 [hbm:s6], $0xF7A  }
0x23: {  	s9 =	sor.u32 $0xD0000000, s2;
	s6 =	simm.s32 $0x108;
	_ =	swait.ge @!p0 [sflag:s8], $0x0  }
0x24: {  	s3 =	sadd.s32 $0x88, s3;
	s6 =	simm.s32 @!p1 $0x1082;
	[sflag:s4] =	ssyncset.s32 $0xFFFFF086  }
0x25: {  	[simem:s6], [sflag:s4] =	dma.local [hbm:s3], $0xF7A  }
0x26: {  	[smem:$0x3F99] =	sst s1;
	(tag) =	ssettag s2;
	_ =	strace s9  }
0x27: {  	s1 =	sld [smem:$0x3FA9]  }
0x28: {  	s2 =	sld [smem:$0x3FAA]  }
0x29: {  	s4 =	sld [smem:$0x3FAC]  }
0x2a: {  	p0 =	seq.s32 s5, $0x0;
	s5 =	sld [smem:$0x3FAD]  }
0x2b: {  	s6 =	sld [smem:$0x3FAE]  }
0x2c: {  	s7 =	sld [smem:$0x3FAF]  }
0x2d: {  	s3 =	simm.s32 $0x108;
	s8 =	sld [smem:$0x3FB0]  }
0x2e: {  	s3 =	simm.s32 @!p0 $0x1082;
	s9 =	sld [smem:$0x3FB1]  }
0x2f: {  	lr =	sadd.s32 s0, s3;
	s0 =	sld [smem:$0x3FA8]  }
0x30: {  	s3 =	sld [smem:$0x3FAB]  }
0x31: {  	[smem:$0x3FB4] =	sst s10  }
0x32: {  	s10 =	sld [smem:$0x3FB2];
	_ =	sdelay $0x3  }
0x33: {  	p0 =	seq.s32 s10, $0x1;
	s10 =	sld [smem:$0x3FB4];
	_ =	sdelay $0x3  }
0x34: {  	[smem:$0x3FB4] =	sst s10  }
0x35: {  	s10 =	sld [smem:$0x3FB3];
	_ =	sdelay $0x3  }
0x36: {  	p1 =	seq.s32 s10, $0x1;
	s10 =	sld [smem:$0x3FB4];
	_ =	sdelay $0x3  }
0x37: {  	[smem:$0x3FB4] =	sst s10  }
0x38: {  	s10 =	sld [smem:$0x3FB5]  }
0x39: {  	_ = 	snop;
	(pc) =	sbr.ind lr, $3  }
0x3a: {  	_ = 	snop  }
0x3b: {  	_ = 	snop  }
0x3c: {  	p2 =	seq.s32 s10, $0x1;
	s10 =	sld [smem:$0x3FB4]  }
0x3d: {  	_ =	shalt  }
0x3e: {  	_ =	shalt  }
0x3f: {  	_ =	shalt  }
0x40: {  	_ =	shalt  }
0x41: {  	_ =	shalt  }
0x42: {  	_ =	shalt  }
0x43: {  	_ =	shalt  }
0x44: {  	_ =	shalt  }
0x45: {  	_ =	shalt  }
0x46: {  	_ =	shalt  }
0x47: {  	_ =	shalt  }
0x48: {  	_ =	shalt  }
0x49: {  	_ =	shalt  }
0x4a: {  	_ =	shalt  }
0x4b: {  	_ =	shalt  }
0x4c: {  	_ =	shalt  }
0x4d: {  	_ =	shalt  }
0x4e: {  	_ =	shalt  }
0x4f: {  	_ =	shalt  }
0x50: {  	_ =	shalt  }
0x51: {  	_ =	shalt  }
0x52: {  	_ =	shalt  }
0x53: {  	_ =	shalt  }
0x54: {  	_ =	shalt  }
0x55: {  	_ =	shalt  }
0x56: {  	_ =	shalt  }
0x57: {  	_ =	shalt  }
0x58: {  	_ =	shalt  }
0x59: {  	_ =	shalt  }
0x5a: {  	_ =	shalt  }
0x5b: {  	_ =	shalt  }
0x5c: {  	_ =	shalt  }
0x5d: {  	_ =	shalt  }
0x5e: {  	_ =	shalt  }
0x5f: {  	_ =	shalt  }
0x60: {  	_ =	shalt  }
0x61: {  	_ =	shalt  }
0x62: {  	_ =	shalt  }
0x63: {  	_ =	shalt  }
0x64: {  	_ =	shalt  }
0x65: {  	_ =	shalt  }
0x66: {  	_ =	shalt  }
0x67: {  	_ =	shalt  }
0x68: {  	_ =	shalt  }
0x69: {  	_ =	shalt  }
0x6a: {  	_ =	shalt  }
0x6b: {  	_ =	shalt  }
0x6c: {  	_ =	shalt  }
0x6d: {  	_ =	shalt  }
0x6e: {  	_ =	shalt  }
0x6f: {  	_ =	shalt  }
0x70: {  	_ =	shalt  }
0x71: {  	_ =	shalt  }
0x72: {  	_ =	shalt  }
0x73: {  	_ =	shalt  }
0x74: {  	_ =	shalt  }
0x75: {  	_ =	shalt  }
0x76: {  	_ =	shalt  }
0x77: {  	_ =	shalt  }
0x78: {  	_ =	shalt  }
0x79: {  	_ =	shalt  }
0x7a: {  	_ =	shalt  }
0x7b: {  	_ =	shalt  }
0x7c: {  	_ =	shalt  }
0x7d: {  	_ =	shalt  }
0x7e: {  	_ =	shalt  }
0x7f: {  	_ =	shalt  }
0x80: {  	_ =	shalt  }
0x81: {  	_ =	shalt  }
0x82: {  	_ =	shalt  }
0x83: {  	_ =	shalt  }
0x84: {  	_ =	shalt  }
0x85: {  	_ =	shalt  }
0x86: {  	_ =	shalt  }
0x87: {  	_ =	shalt  }
.Lfunc_end0:
.L_simem_size_0:
called_computation_lowered:
.L_overlay_start_0:
0x88: {  	s2 =	sld [smem:$0x3FD9]  }
0x89: {  	s3 =	sld [smem:$0x3FFE];
	_ =	sdelay $0x1  }
0x8a: {  	s1 =	srdreg.scid  }
0x8b: {  	s0 =	sand.u32 $0x1, s1  }
0x8c: {  	s17 =	sshll.u32 s0, $0xA;
	s2 =	sadd.s32 s3, s2  }
0x8d: {  	s2 =	sadd.s32 s2, s17  }
0x8e: {  	[smem:$0x3FC0] =	sst s2  }
0x8f: {  	_ = 	snop  }
0x90: {  	s2 =	sld [smem:$0x3FC9]  }
0x91: {  	s18 =	sld [smem:$0x3FC8];
	(tm) =	ssettm $0x1  }
0x92: {  	s4 =	sld [smem:$0x3FFB];
	_ =	sdelay $0x3  }
0x93: {  	_ =	strace s4  }
0x94: {  	s4 =	sld [smem:$0x3FFC];
	_ =	sdelay $0x3  }
0x95: {  	_ =	strace s4  }
0x96: {  	s4 =	sld [smem:$0x3FFD];
	_ =	sdelay $0x3  }
0x97: {  	_ =	strace s4  }
0x98: {  	_ =	strace $0x8FFFFFFF  }
0x99: {  	s19 =	sld [smem:$0x3FDB];
	_ =	sdelay $0x1  }
0x9a: {  	s5 =	simm.s32 $_scs_section_size  }
0x9b: {  	s6 =	simm.s32 $_size__tile_overlayer_lowered;
	s7 =	simm.s32 $_tile_overlayer_lowered  }
0x9c: {  	s22 =	simm.s32 $0x1BFF;
	s21 =	sshll.u32 s7, $0x1;
	s4 =	sadd.s32 s5, s19  }
0x9d: {  	s8 =	simm.s32 $0x0;
	s20 =	sshll.u32 s6, $0x1;
	s6 =	sadd.s32 s21, s4  }
0x9e: {  	[timem:s8], [sflag:s22] =	dma.local [hbm:s6], s20  }
0x9f: {  	_ =	swait.ge [sflag:s22], s20  }
0xa0: {  	s5 =	ssub.s32 $0x0, s20;
	[sflag:s22] =	ssyncset.done $0x0  }
0xa1: {  	[sflag:s22] =	ssyncadd.s32 s5;
	_ =	sdelay $0x1  }
0xa2: {  	s23 =	simm.s32 $0x1B8B  }
0xa3: {  	_ =	swait.ge [sflag:s23], $0x1  }
0xa4: {  	[sflag:s23] =	ssyncset.done $0x0  }
0xa5: {  	s25 =	simm.s32 $0x1B8E;
	s24 =	sld [smem:$0x3FFE];
	[sflag:s23] =	ssyncadd.s32 $0xFFFFFFFF  }
0xa6: {  	s26 =	simm.s32 $execute0_lowered;
	[smem:$0x3FD2] =	sst s25  }
0xa7: {  	s6 =	sshll.u32 s26, $0x1;
	_ =	strace $0x80000046;
	[dreg:$0x1] =	wrdreg $0xFFFFFFFF  }
0xa8: {  	s28 =	simm.s32 $_size_execute0_lowered;
	s4 =	sadd.s32 s4, s6;
	[dreg:$0x0] =	wrdreg $0x0  }
0xa9: {  	s6 =	sshll.u32 s28, $0x1;
	[dreg:$0x2] =	wrdreg s4  }
0xaa: {  	[dreg:$0x3] =	wrdreg s6  }
0xab: {  	[dreg:$0x4] =	wrdreg $0xC0  }
0xac: {  	_ =	task [dreg:s8], $0x5FFFF  }
0xad: {  	[dreg:$0x1] =	wrdreg $0xFFFFFFFF  }
0xae: {  	[dreg:$0x0] =	wrdreg $0x60  }
0xaf: {  	[dreg:$0x2] =	wrdreg s18  }
0xb0: {  	[dreg:$0x3] =	wrdreg s2  }
0xb1: {  	[dreg:$0x4] =	wrdreg s24  }
0xb2: {  	[dreg:$0x5] =	wrdreg $0x9  }
0xb3: {  	_ =	task.clear_ibuf [dreg:s8], $0x6FFFF;
	_ =	strace $0x90000046  }
0xb4: {  	s29 =	simm.s32 $0x9;
	_ =	strace $0x80000048  }
0xb5: {  	_ =	swait.ge [sflag:s29], $0x1  }
0xb6: {  	[sflag:s29] =	ssyncadd.s32 $0xFFFFFFFF  }
0xb7: {  	_ =	strace $0x90000048  }
0xb8: {  	_ =	sfence  }
0xb9: {  	s30 =	sld [smem:$0x0];
	_ =	sdelay $0x2  }
0xba: {  	s31 =	sshll.u32 s1, $0xD;
	s1 =	sshrl.u32 s1, $0x2  }
0xbb: {  	s3 =	sand.u32 $0x4000, s31;
	s1 =	sadd.s32 s1, s30  }
0xbc: {  	s0 =	sor.u32 s3, s0;
	s1 =	sshll.u32 s1, $0x11  }
0xbd: {  	s0 =	sor.u32 s1, s0  }
0xbe: {  	s0 =	sadd.s32 $0x8F2B, s0  }
0xbf: {  	[sflag:s0] =	ssyncadd.remote.s32 $0x1  }
0xc0: {  	_ =	sfence.sel $0xFFFF  }
0xc1: {  	[dreg:$0x0] =	wrdreg $0xFFFFFFFF;
	(pc) =	sbr.abs _section_cstart, $3  }
0xc2: {  	[dreg:$0x1] =	wrdreg $0xFFFFFFFF  }
0xc3: {  	_ =	task.clear_ibuf [dreg:s8], $0x2FFFF;
	_ =	strace $0x9FFFFFFF  }
0xc4: {  	(tm) =	ssettm $0x7FFFFFFF  }
0xc5: {  	_ =	shalt  }
tec
execute0_lowered:
.L_overlay_start_1:
0x0: {  	(tag) =	ssettag $0x1  }
0x1: {  	s1 =	rddreg [dreg:$0x0]  }
0x2: {  	s4 =	rddreg [dreg:$0x1]  }
0x3: {  	s14 =	rddreg [dreg:$0x2];
	s2 =	srdreg.scid  }
0x4: {  	s0 =	rddreg [dreg:$0x3];
	s19 =	sand.u32 $0x1, s2  }
0x5: {  	s3 =	simm.s32 $0x0;
	s2 =	stileid.u32;
	s5 =	sshll.u32 s19, $0x6  }
0x6: {  	[smem:$0x7FF] =	sst s3;
	s6 =	sshll.u32 s2, $0x7;
	s4 =	sadd.s32 s4, s5  }
0x7: {  	_ =	strace $0x80000047;
	s5 =	simm.s32 $0x3;
	s4 =	sadd.s32 s6, s4  }
0x8: {  	[tilespmem:s3], [sflag:$0x3] =	stream.linear.gather [hbm4b:s4+s3], $0x200, $0x38;
	[tilespmem:$0x10200] =	vst v63  }
0x9: {  	_ =	swait.ge [sflag:s5], $0x200  }
0xa: {  	[sflag:s5] =	ssyncset.done $0x0  }
0xb: {  	s7 =	simm.s32 $0x200;
	s6 =	simm.s32 $0x80;
	[sflag:s5] =	ssyncadd.s32 $0xFFFFFE00  }
0xc: {  	[tilespmem:s7], [sflag:$0x1] =	stream.indirect.gather [hbm4b:s1+s6], $0x80, s3, s6, $0xb8;
	[tilespmem:$0x10200] =	vst v63  }
0xd: {  	s8 =	simm.s32 $0x4200;
	s9 =	simm.s32 $0x100  }
0xe: {  	[tilespmem:s8], [sflag:$0x1] =	stream.indirect.gather [hbm4b:s1+s6], $0x80, s6, s6, $0xb8;
	[tilespmem:$0x10200] =	vst v63  }
0xf: {  	s10 =	simm.s32 $0x8200;
	s11 =	simm.s32 $0x180;
	s12 =	simm.s32 $0xC200  }
0x10: {  	[tilespmem:s10], [sflag:$0x1] =	stream.indirect.gather [hbm4b:s1+s6], $0x80, s9, s6, $0xb8;
	[tilespmem:$0x10200] =	vst v63  }
0x11: {  	s13 =	simm.s32 $0x1;
	s15 =	sshll.u32 s2, $0xE;
	s16 =	sshll.u32 s19, $0xD  }
0x12: {  	[tilespmem:s12], [sflag:$0x1] =	stream.indirect.gather [hbm4b:s1+s6], $0x80, s11, s6, $0xb8;
	[tilespmem:$0x10200] =	vst v63  }
0x13: {  	s15 =	sor.u32 s16, s15;
	_ =	swait.ge [sflag:s13], $0x4000  }
0x14: {  	s17 =	sadd.s32 s15, s14;
	[sflag:s13] =	ssyncset.done $0x0  }
0x15: {  	s14 =	sadd.s32 $0x1000, s17;
	[sflag:s13] =	ssyncadd.s32 $0xFFFFC000  }
0x16: {  	[hbm4b:s14+s3] =	stream.linear.scatter [tilespmem:s7], [sflag:$0x2], $0x4000, $0x38;
	[tilespmem:$0x10200] =	vst v63  }
0x17: {  	_ =	swait.ge [sflag:s13], $0x4000  }
0x18: {  	[sflag:s13] =	ssyncset.done $0x0  }
0x19: {  	s15 =	sadd.s32 $0x1800, s17;
	[sflag:s13] =	ssyncadd.s32 $0xFFFFC000  }
0x1a: {  	[hbm4b:s15+s3] =	stream.linear.scatter [tilespmem:s8], [sflag:$0x2], $0x4000, $0x38;
	[tilespmem:$0x10200] =	vst v63  }
0x1b: {  	_ =	swait.ge [sflag:s13], $0x4000  }
0x1c: {  	[sflag:s13] =	ssyncset.done $0x0  }
0x1d: {  	s16 =	sadd.s32 $0x2000, s17;
	[sflag:s13] =	ssyncadd.s32 $0xFFFFC000  }
0x1e: {  	[hbm4b:s16+s3] =	stream.linear.scatter [tilespmem:s10], [sflag:$0x2], $0x4000, $0x38;
	[tilespmem:$0x10200] =	vst v63  }
0x1f: {  	_ =	swait.ge [sflag:s13], $0x4000  }
0x20: {  	[sflag:s13] =	ssyncset.done $0x0  }
0x21: {  	s18 =	sadd.s32 $0x2800, s17;
	s17 =	simm.s32 $0x2;
	[sflag:s13] =	ssyncadd.s32 $0xFFFFC000  }
0x22: {  	[hbm4b:s18+s3] =	stream.linear.scatter [tilespmem:s12], [sflag:$0x2], $0x4000, $0x38;
	[tilespmem:$0x10200] =	vst v63  }
0x23: {  	_ =	swait.ge [sflag:s17], $0x4000  }
0x24: {  	s19 =	ssub.s32 $0x2, s19;
	[sflag:s17] =	ssyncset.done $0x0  }
0x25: {  	s20 =	sshrl.u32 s19, $0x1;
	[sflag:s17] =	ssyncadd.s32 $0xFFFFC000  }
0x26: {  	s19 =	ssub.s32 s19, s20;
	_ =	swait.ge [sflag:s17], $0x4000  }
0x27: {  	s19 =	smax.u32 s19, $0x1;
	[sflag:s17] =	ssyncset.done $0x0  }
0x28: {  	p0 =	sne.s32 s19, $0x1;
	[sflag:s17] =	ssyncadd.s32 $0xFFFFC000  }
.Ltmp0:
0x29: {  	_ =	swait.ge [sflag:s17], $0x4000;
	(pc) =	sbr.rel @!p0 .LBB2_2-.Ltmp0, $4  }
0x2a: {  	[sflag:s17] =	ssyncset.done $0x0  }
0x2b: {  	[sflag:s17] =	ssyncadd.s32 $0xFFFFC000  }
0x2c: {  	_ =	swait.ge [sflag:s17], $0x4000  }
0x2d: {  	s19 =	sadd.s32 $0xFFFFFFFF, s19;
	[sflag:s17] =	ssyncset.done $0x0  }
.LBB2_1:
0x2e: {  	p0 =	sne.s32 s19, $0x1;
	s19 =	sadd.s32 $0xFFFFFFFF, s19;
	[sflag:s17] =	ssyncadd.s32 $0xFFFFC000  }
0x2f: {  	[tilespmem:s3], [sflag:$0x3] =	stream.linear.gather [hbm4b:s4+s3], $0x200, $0x38;
	[tilespmem:$0x10200] =	vst v63  }
0x30: {  	_ =	swait.ge [sflag:s5], $0x200  }
0x31: {  	[sflag:s5] =	ssyncset.done $0x0  }
0x32: {  	[sflag:s5] =	ssyncadd.s32 $0xFFFFFE00  }
0x33: {  	[tilespmem:s7], [sflag:$0x1] =	stream.indirect.gather [hbm4b:s1+s6], $0x80, s3, s6, $0xb8;
	[tilespmem:$0x10200] =	vst v63  }
0x34: {  	_ = 	snop  }
0x35: {  	[tilespmem:s8], [sflag:$0x1] =	stream.indirect.gather [hbm4b:s1+s6], $0x80, s6, s6, $0xb8;
	[tilespmem:$0x10200] =	vst v63  }
0x36: {  	_ = 	snop  }
0x37: {  	[tilespmem:s10], [sflag:$0x1] =	stream.indirect.gather [hbm4b:s1+s6], $0x80, s9, s6, $0xb8;
	[tilespmem:$0x10200] =	vst v63  }
0x38: {  	_ = 	snop  }
0x39: {  	[tilespmem:s12], [sflag:$0x1] =	stream.indirect.gather [hbm4b:s1+s6], $0x80, s11, s6, $0xb8;
	[tilespmem:$0x10200] =	vst v63  }
0x3a: {  	_ =	swait.ge [sflag:s13], $0x4000  }
0x3b: {  	[sflag:s13] =	ssyncset.done $0x0  }
0x3c: {  	[sflag:s13] =	ssyncadd.s32 $0xFFFFC000  }
0x3d: {  	[hbm4b:s14+s3] =	stream.linear.scatter [tilespmem:s7], [sflag:$0x2], $0x4000, $0x38;
	[tilespmem:$0x10200] =	vst v63  }
0x3e: {  	_ =	swait.ge [sflag:s13], $0x4000  }
0x3f: {  	[sflag:s13] =	ssyncset.done $0x0  }
0x40: {  	[sflag:s13] =	ssyncadd.s32 $0xFFFFC000  }
0x41: {  	[hbm4b:s15+s3] =	stream.linear.scatter [tilespmem:s8], [sflag:$0x2], $0x4000, $0x38;
	[tilespmem:$0x10200] =	vst v63  }
0x42: {  	_ =	swait.ge [sflag:s13], $0x4000  }
0x43: {  	[sflag:s13] =	ssyncset.done $0x0  }
0x44: {  	[sflag:s13] =	ssyncadd.s32 $0xFFFFC000  }
0x45: {  	[hbm4b:s16+s3] =	stream.linear.scatter [tilespmem:s10], [sflag:$0x2], $0x4000, $0x38;
	[tilespmem:$0x10200] =	vst v63  }
0x46: {  	_ =	swait.ge [sflag:s13], $0x4000  }
0x47: {  	[sflag:s13] =	ssyncset.done $0x0  }
0x48: {  	[sflag:s13] =	ssyncadd.s32 $0xFFFFC000  }
0x49: {  	[hbm4b:s18+s3] =	stream.linear.scatter [tilespmem:s12], [sflag:$0x2], $0x4000, $0x38;
	[tilespmem:$0x10200] =	vst v63  }
0x4a: {  	_ =	swait.ge [sflag:s17], $0x4000  }
0x4b: {  	[sflag:s17] =	ssyncset.done $0x0  }
0x4c: {  	[sflag:s17] =	ssyncadd.s32 $0xFFFFC000  }
0x4d: {  	_ =	swait.ge [sflag:s17], $0x4000  }
0x4e: {  	[sflag:s17] =	ssyncset.done $0x0  }
0x4f: {  	[sflag:s17] =	ssyncadd.s32 $0xFFFFC000  }
.Ltmp1:
0x50: {  	_ =	swait.ge [sflag:s17], $0x4000;
	(pc) =	sbr.rel @p0 .LBB2_1-.Ltmp1, $4  }
0x51: {  	[sflag:s17] =	ssyncset.done $0x0  }
0x52: {  	[sflag:s17] =	ssyncadd.s32 $0xFFFFC000  }
0x53: {  	_ =	swait.ge [sflag:s17], $0x4000  }
0x54: {  	[sflag:s17] =	ssyncset.done $0x0  }
.LBB2_2:
0x55: {  	[sflag:s17] =	ssyncadd.s32 $0xFFFFC000  }
0x56: {  	_ =	sfence.sel $0x180000  }
0x57: {  	[bflag:$0x0] =	sbarrier.arrive $0xFFFF  }
0x58: {  	p0 =	sne.s32 s2, $0x0;
	_ =	strace $0x90000047  }
0x59: {  	s0 =	sadd.s32 @!p0 $0x100000, s0;
	[bflag:$0x2] =	sbarrier.arrive $0xFFFF  }
0x5a: {  	[sflag:s0] =	ssyncadd.tile.s32 @!p0 $0x1;
	_ =	shalt  }
.Lfunc_end2:
_tile_overlayer_lowered:
.L_overlay_start_2:
0x5b: {  	(tag) =	ssettag $0x2  }
0x5c: {  	s0 =	rddreg [dreg:$0x0];
	s2 =	stileid.u32  }
0x5d: {  	s1 =	rddreg [dreg:$0x1];
	p0 =	sne.s32 s2, $0x0  }
0x5e: {  	s3 =	rddreg [dreg:$0x2];
	[bflag:$0x3] =	sbarrier.arrive $0xFFFF;
	s2 =	simm.s32 @!p0 $0x1C03  }
0x5f: {  	[timem:s3], [sflag:s2] =	dma.local @!p0 [hbm:s0], s1  }
0x60: {  	s0 =	simm.s32 @!p0 $0x3  }
0x61: {  	_ =	swait.ge @!p0 [sflag:s0], s1  }
0x62: {  	s1 =	ssub.s32 @!p0 $0x0, s1;
	[sflag:s0] =	ssyncset.done @!p0 $0x0  }
0x63: {  	[sflag:s0] =	ssyncadd.s32 @!p0 s1  }
0x64: {  	[bflag:$0x3] =	sbarrier.arrive $0xFFFF  }
0x65: {  	_ =	shalt  }

</sc_bundles>
